<compile_context>
chip_gen: v7x
topology: tpu7x:2x2x1
jax: 0.10.2.dev20260603
libtpu: 0.0.44.dev20260713+nightly
codegen_flags: <defaults>
</compile_context>

<pallas_src>
import functools

import jax
import jax.numpy as jnp
from jax import lax
from jax.experimental import pallas as pl
from jax.experimental.pallas import tpu as pltpu
from jax.experimental.pallas import tpu_sc as plsc

_T_MIN = 1.0
_T_MAX = 20.0
_BATCH = 16384
_LANES = 16
_IDX_CHUNK = 128


def _make_sc_kernel():
    info = plsc.get_sparse_core_info()
    nc, ns = info.num_cores, info.num_subcores
    nw = nc * ns
    b_per_w = _BATCH // nw
    n_chunks = b_per_w // _IDX_CHUNK

    mesh = plsc.VectorSubcoreMesh(core_axis_name="c", subcore_axis_name="s")

    @functools.partial(
        pl.kernel,
        mesh=mesh,
        out_type=jax.ShapeDtypeStruct((_BATCH,), jnp.float32),
        scratch_types=[
            pltpu.VMEM((n_chunks, _IDX_CHUNK), jnp.int32),
            pltpu.VMEM((b_per_w,), jnp.float32),
            pltpu.VMEM((b_per_w,), jnp.float32),
            pltpu.SemaphoreType.DMA,
            pltpu.SemaphoreType.DMA,
        ],
    )
    def k(idx_hbm, table_hbm, out_hbm, idx_v, rows_v, out_v, sem, idx_sem):
        wid = lax.axis_index("s") * nc + lax.axis_index("c")
        base = wid * b_per_w
        pltpu.sync_copy(idx_hbm.at[wid], idx_v)
        copies = []
        for j in range(n_chunks):
            copies.append(
                pltpu.async_copy(
                    table_hbm.at[idx_v.at[j]],
                    rows_v.at[pl.ds(j * _IDX_CHUNK, _IDX_CHUNK)],
                    sem,
                )
            )
        span = _T_MAX - _T_MIN
        vecs_per_chunk = _IDX_CHUNK // _LANES

        def sig_vec(i, _):
            x = rows_v[pl.ds(i * _LANES, _LANES)]
            out_v[pl.ds(i * _LANES, _LANES)] = _T_MIN + span / (1.0 + jnp.exp(-x))
            return _

        out_copies = []
        for j in range(n_chunks):
            copies[j].wait()
            lax.fori_loop(
                j * vecs_per_chunk, (j + 1) * vecs_per_chunk, sig_vec, 0,
                unroll=False,
            )
            out_copies.append(
                pltpu.async_copy(
                    out_v.at[pl.ds(j * _IDX_CHUNK, _IDX_CHUNK)],
                    out_hbm.at[pl.ds(base + j * _IDX_CHUNK, _IDX_CHUNK)],
                    idx_sem,
                )
            )
        for cp in out_copies:
            cp.wait()

    return k, nw, n_chunks


def kernel(targets, log_temps):
    k, nw, n_chunks = _make_sc_kernel()
    idx = targets.astype(jnp.int32).reshape(nw, n_chunks, _IDX_CHUNK)
    return k(idx, log_temps)

# --- scband reference (transcript-rebuilt; emitter-appended) ---
"""Pipeline reference for scband-learnable-temperature-module-51969104281835 (READ-ONLY COPY).

The authoritative reference and input builder live on the scoring server;
editing this copy changes nothing except your own understanding.
"""

import jax, jax.numpy as jnp
import numpy as np

NUM_CLASSES = 1000000
BATCH = 16384
T_BASE = 4.0
T_MIN = 1.0
T_MAX = 20.0

def setup_inputs(seed: int = 0) -> dict:
    key = jax.random.key(seed)
    k1, _ = jax.random.split(key)
    targets = jax.random.randint(k1, (BATCH,), 0, NUM_CLASSES, dtype=jnp.int64 if jax.config.jax_enable_x64 else jnp.int32)
    log_temps = jnp.ones((NUM_CLASSES,), dtype=jnp.float32) * np.log(T_BASE)
    return {"targets": targets, "log_temps": log_temps}

def reference(targets, log_temps):
    # temps bounded between T_MIN and T_MAX via sigmoid
    temps = T_MIN + (T_MAX - T_MIN) * jax.nn.sigmoid(log_temps)
    # per-sample temperature lookup (embedding-style gather)
    return jnp.take(temps, targets, axis=0)

if __name__ == "__main__":
    import jax
    _d = setup_inputs()
    print(jax.jit(kernel)(*tuple(_d.values())))

</pallas_src>

<mosaic_0001>
#map = affine_map<(d0, d1) -> (0, 0, 0)>
#map1 = affine_map<(d0, d1) -> (0)>
module attributes {stable_mosaic.version = 14 : i64} {
  func.func @k(%arg0: i32, %arg1: i32, %arg2: memref<32x4x128xi32, #tpu.memory_space<hbm>>, %arg3: memref<1000000xf32, #tpu.memory_space<hbm>>, %arg4: memref<16384xf32, #tpu.memory_space<hbm>>, %arg5: memref<4x128xi32, #tpu.memory_space<vmem>>, %arg6: memref<512xf32, #tpu.memory_space<vmem>>, %arg7: memref<512xf32, #tpu.memory_space<vmem>>, %arg8: memref<!tpu.dma_semaphore, #tpu.memory_space<semaphore_mem>>, %arg9: memref<!tpu.dma_semaphore, #tpu.memory_space<semaphore_mem>>) attributes {dimension_semantics = [#tpu.dimension_semantics<core_parallel>, #tpu.dimension_semantics<subcore_parallel>], iteration_bounds = array<i64: 2, 16>, scalar_prefetch = 0 : i64, scratch_operands = 5 : i64, tpu.core_type = #tpu.core_type<sc_vector_subcore>, window_params = [{transform_indices = #map}, {transform_indices = #map1}, {transform_indices = #map1}]} {
    %mul3A = arith.constant 2 : i32
    %mul3A_0 = arith.muli %arg1, %mul3A : i32
    %add3A = arith.addi %mul3A_0, %arg0 : i32
    %mul3A_1 = arith.constant 512 : i32
    %mul3A_2 = arith.muli %add3A, %mul3A_1 : i32
    "tpu.region"() ({
      %run_scoped3A = tpu.sem_alloc : memref<!tpu.dma_semaphore, #tpu.memory_space<semaphore_mem>>
      %dma_start3A_144 = arith.constant 0 : i32
      %dma_start3A_145 = arith.constant 0 : i32
      %dma_start3A_146 = tpu.memref_slice %arg2[%add3A, %dma_start3A_144, %dma_start3A_145] : memref<32x4x128xi32, #tpu.memory_space<hbm>> -> memref<1x4x128xi32, #tpu.memory_space<hbm>>
      %dma_start3A_147 = tpu.memref_squeeze %dma_start3A_146 : memref<1x4x128xi32, #tpu.memory_space<hbm>> -> memref<4x128xi32, #tpu.memory_space<hbm>>
      %dma_start3A_148 = arith.constant 0 : i32
      %dma_start3A_149 = arith.constant 0 : i32
      %dma_start3A_150 = tpu.memref_slice %arg2[%add3A, %dma_start3A_148, %dma_start3A_149] : memref<32x4x128xi32, #tpu.memory_space<hbm>> -> memref<1x4x128xi32, #tpu.memory_space<hbm>>
      %dma_start3A_151 = tpu.memref_squeeze %dma_start3A_150 : memref<1x4x128xi32, #tpu.memory_space<hbm>> -> memref<4x128xi32, #tpu.memory_space<hbm>>
      tpu.enqueue_dma source(%dma_start3A_151 : memref<4x128xi32, #tpu.memory_space<hbm>>) target(%arg5 : memref<4x128xi32, #tpu.memory_space<vmem>>) target_semaphore(%run_scoped3A : memref<!tpu.dma_semaphore, #tpu.memory_space<semaphore_mem>>)
      %dma_wait3A_152 = arith.constant 0 : i32
      %dma_wait3A_153 = arith.constant 0 : i32
      %dma_wait3A_154 = tpu.memref_slice %arg2[%add3A, %dma_wait3A_152, %dma_wait3A_153] : memref<32x4x128xi32, #tpu.memory_space<hbm>> -> memref<1x4x128xi32, #tpu.memory_space<hbm>>
      %dma_wait3A_155 = tpu.memref_squeeze %dma_wait3A_154 : memref<1x4x128xi32, #tpu.memory_space<hbm>> -> memref<4x128xi32, #tpu.memory_space<hbm>>
      %dma_wait3A_156 = arith.constant 0 : i32
      %dma_wait3A_157 = arith.constant 0 : i32
      %dma_wait3A_158 = tpu.memref_slice %arg2[%add3A, %dma_wait3A_156, %dma_wait3A_157] : memref<32x4x128xi32, #tpu.memory_space<hbm>> -> memref<1x4x128xi32, #tpu.memory_space<hbm>>
      %dma_wait3A_159 = tpu.memref_squeeze %dma_wait3A_158 : memref<1x4x128xi32, #tpu.memory_space<hbm>> -> memref<4x128xi32, #tpu.memory_space<hbm>>
      tpu.wait_dma2 semaphore(%run_scoped3A : memref<!tpu.dma_semaphore, #tpu.memory_space<semaphore_mem>>) src(%dma_wait3A_159 : memref<4x128xi32, #tpu.memory_space<hbm>>) dst(%arg5 : memref<4x128xi32, #tpu.memory_space<vmem>>)
      tpu.yield
    }) : () -> ()
    %dma_start3A = arith.constant 0 : i32
    %dma_start3A_3 = arith.constant 0 : i32
    %dma_start3A_4 = tpu.memref_slice %arg6[%dma_start3A_3] : memref<512xf32, #tpu.memory_space<vmem>> -> memref<128xf32, #tpu.memory_space<vmem>>
    %dma_start3A_5 = arith.constant 0 : i32
    %dma_start3A_6 = tpu.memref_slice %arg5[%dma_start3A, %dma_start3A_5] : memref<4x128xi32, #tpu.memory_space<vmem>> -> memref<1x128xi32, #tpu.memory_space<vmem>>
    %dma_start3A_7 = tpu.memref_squeeze %dma_start3A_6 : memref<1x128xi32, #tpu.memory_space<vmem>> -> memref<128xi32, #tpu.memory_space<vmem>>
    %dma_start3A_8 = arith.constant 0 : i32
    %dma_start3A_9 = tpu.memref_slice %arg3[%dma_start3A_8] : memref<1000000xf32, #tpu.memory_space<hbm>> -> memref<1000000xf32, #tpu.memory_space<hbm>>
    tpu.enqueue_indirect_dma source(%dma_start3A_9 : memref<1000000xf32, #tpu.memory_space<hbm>>) target(%dma_start3A_4 : memref<128xf32, #tpu.memory_space<vmem>>) offsets(%dma_start3A_7 : memref<128xi32, #tpu.memory_space<vmem>>) semaphore(%arg8 : memref<!tpu.dma_semaphore, #tpu.memory_space<semaphore_mem>>)
    %dma_start3A_10 = arith.constant 1 : i32
    %dma_start3A_11 = arith.constant 128 : i32
    %dma_start3A_12 = tpu.memref_slice %arg6[%dma_start3A_11] : memref<512xf32, #tpu.memory_space<vmem>> -> memref<128xf32, #tpu.memory_space<vmem>>
    %dma_start3A_13 = arith.constant 0 : i32
    %dma_start3A_14 = tpu.memref_slice %arg5[%dma_start3A_10, %dma_start3A_13] : memref<4x128xi32, #tpu.memory_space<vmem>> -> memref<1x128xi32, #tpu.memory_space<vmem>>
    %dma_start3A_15 = tpu.memref_squeeze %dma_start3A_14 : memref<1x128xi32, #tpu.memory_space<vmem>> -> memref<128xi32, #tpu.memory_space<vmem>>
    %dma_start3A_16 = arith.constant 0 : i32
    %dma_start3A_17 = tpu.memref_slice %arg3[%dma_start3A_16] : memref<1000000xf32, #tpu.memory_space<hbm>> -> memref<1000000xf32, #tpu.memory_space<hbm>>
    tpu.enqueue_indirect_dma source(%dma_start3A_17 : memref<1000000xf32, #tpu.memory_space<hbm>>) target(%dma_start3A_12 : memref<128xf32, #tpu.memory_space<vmem>>) offsets(%dma_start3A_15 : memref<128xi32, #tpu.memory_space<vmem>>) semaphore(%arg8 : memref<!tpu.dma_semaphore, #tpu.memory_space<semaphore_mem>>)
    %dma_start3A_18 = arith.constant 2 : i32
    %dma_start3A_19 = arith.constant 256 : i32
    %dma_start3A_20 = tpu.memref_slice %arg6[%dma_start3A_19] : memref<512xf32, #tpu.memory_space<vmem>> -> memref<128xf32, #tpu.memory_space<vmem>>
    %dma_start3A_21 = arith.constant 0 : i32
    %dma_start3A_22 = tpu.memref_slice %arg5[%dma_start3A_18, %dma_start3A_21] : memref<4x128xi32, #tpu.memory_space<vmem>> -> memref<1x128xi32, #tpu.memory_space<vmem>>
    %dma_start3A_23 = tpu.memref_squeeze %dma_start3A_22 : memref<1x128xi32, #tpu.memory_space<vmem>> -> memref<128xi32, #tpu.memory_space<vmem>>
    %dma_start3A_24 = arith.constant 0 : i32
    %dma_start3A_25 = tpu.memref_slice %arg3[%dma_start3A_24] : memref<1000000xf32, #tpu.memory_space<hbm>> -> memref<1000000xf32, #tpu.memory_space<hbm>>
    tpu.enqueue_indirect_dma source(%dma_start3A_25 : memref<1000000xf32, #tpu.memory_space<hbm>>) target(%dma_start3A_20 : memref<128xf32, #tpu.memory_space<vmem>>) offsets(%dma_start3A_23 : memref<128xi32, #tpu.memory_space<vmem>>) semaphore(%arg8 : memref<!tpu.dma_semaphore, #tpu.memory_space<semaphore_mem>>)
    %dma_start3A_26 = arith.constant 3 : i32
    %dma_start3A_27 = arith.constant 384 : i32
    %dma_start3A_28 = tpu.memref_slice %arg6[%dma_start3A_27] : memref<512xf32, #tpu.memory_space<vmem>> -> memref<128xf32, #tpu.memory_space<vmem>>
    %dma_start3A_29 = arith.constant 0 : i32
    %dma_start3A_30 = tpu.memref_slice %arg5[%dma_start3A_26, %dma_start3A_29] : memref<4x128xi32, #tpu.memory_space<vmem>> -> memref<1x128xi32, #tpu.memory_space<vmem>>
    %dma_start3A_31 = tpu.memref_squeeze %dma_start3A_30 : memref<1x128xi32, #tpu.memory_space<vmem>> -> memref<128xi32, #tpu.memory_space<vmem>>
    %dma_start3A_32 = arith.constant 0 : i32
    %dma_start3A_33 = tpu.memref_slice %arg3[%dma_start3A_32] : memref<1000000xf32, #tpu.memory_space<hbm>> -> memref<1000000xf32, #tpu.memory_space<hbm>>
    tpu.enqueue_indirect_dma source(%dma_start3A_33 : memref<1000000xf32, #tpu.memory_space<hbm>>) target(%dma_start3A_28 : memref<128xf32, #tpu.memory_space<vmem>>) offsets(%dma_start3A_31 : memref<128xi32, #tpu.memory_space<vmem>>) semaphore(%arg8 : memref<!tpu.dma_semaphore, #tpu.memory_space<semaphore_mem>>)
    %dma_wait3A = arith.constant 0 : i32
    %dma_wait3A_34 = arith.constant 0 : i32
    %dma_wait3A_35 = tpu.memref_slice %arg6[%dma_wait3A_34] : memref<512xf32, #tpu.memory_space<vmem>> -> memref<128xf32, #tpu.memory_space<vmem>>
    %dma_wait3A_36 = arith.constant 0 : i32
    %dma_wait3A_37 = tpu.memref_slice %arg5[%dma_wait3A, %dma_wait3A_36] : memref<4x128xi32, #tpu.memory_space<vmem>> -> memref<1x128xi32, #tpu.memory_space<vmem>>
    %dma_wait3A_38 = tpu.memref_squeeze %dma_wait3A_37 : memref<1x128xi32, #tpu.memory_space<vmem>> -> memref<128xi32, #tpu.memory_space<vmem>>
    %dma_wait3A_39 = arith.constant 0 : i32
    %dma_wait3A_40 = tpu.memref_slice %arg3[%dma_wait3A_39] : memref<1000000xf32, #tpu.memory_space<hbm>> -> memref<1000000xf32, #tpu.memory_space<hbm>>
    tpu.wait_indirect_dma semaphore(%arg8 : memref<!tpu.dma_semaphore, #tpu.memory_space<semaphore_mem>>) src(%dma_wait3A_40 : memref<1000000xf32, #tpu.memory_space<hbm>>) dst(%dma_wait3A_35 : memref<128xf32, #tpu.memory_space<vmem>>)
    %scan3A = arith.constant 0 : i32
    %scan3A_41 = arith.constant 0 : i32
    %scan3A_42 = arith.constant 8 : i32
    %scan3A_43 = arith.addi %scan3A_41, %scan3A_42 : i32
    %scan3A_44 = arith.constant 1 : i32
    scf.for %scan3A_144 = %scan3A_41 to %scan3A_43 step %scan3A_44  : i32 {
      %mul3A_145 = arith.constant 16 : i32
      %mul3A_146 = arith.muli %scan3A_144, %mul3A_145 : i32
      %get3A = arith.index_cast %mul3A_146 : i32 to index
      %get3A_147 = tpu.vector_load %arg6[%get3A] {strides = array<i32>} : memref<512xf32, #tpu.memory_space<vmem>>, vector<16xf32>,
      %get3A_148 = vector.shape_cast %get3A_147 : vector<16xf32> to vector<16xf32>
      %neg3A = arith.constant 0.000000e+00 : f32
      %neg3A_149 = vector.broadcast %neg3A : f32 to vector<16xf32>
      %neg3A_150 = arith.subf %neg3A_149, %get3A_148 : vector<16xf32>
      %exp3A = math.exp %neg3A_150 : vector<16xf32>
      %add3A_151 = arith.constant 1.000000e+00 : f32
      %add3A_152 = vector.broadcast %add3A_151 : f32 to vector<16xf32>
      %add3A_153 = arith.addf %add3A_152, %exp3A : vector<16xf32>
      %div3A = arith.constant 1.900000e+01 : f32
      %div3A_154 = vector.broadcast %div3A : f32 to vector<16xf32>
      %div3A_155 = arith.divf %div3A_154, %add3A_153 : vector<16xf32>
      %add3A_156 = arith.constant 1.000000e+00 : f32
      %add3A_157 = vector.broadcast %add3A_156 : f32 to vector<16xf32>
      %add3A_158 = arith.addf %add3A_157, %div3A_155 : vector<16xf32>
      %mul3A_159 = arith.constant 16 : i32
      %mul3A_160 = arith.muli %scan3A_144, %mul3A_159 : i32
      %swap3A = arith.index_cast %mul3A_160 : i32 to index
      %swap3A_161 = tpu.vector_load %arg7[%swap3A] {strides = array<i32>} : memref<512xf32, #tpu.memory_space<vmem>>, vector<16xf32>,
      %swap3A_162 = vector.shape_cast %swap3A_161 : vector<16xf32> to vector<16xf32>
      %swap3A_163 = vector.shape_cast %add3A_158 : vector<16xf32> to vector<16xf32>
      tpu.vector_store %arg7[%swap3A], %swap3A_163 {strides = array<i32>} : memref<512xf32, #tpu.memory_space<vmem>>, vector<16xf32>,
    }
    %scan3A_45 = arith.constant 8 : i32
    %add3A_46 = arith.constant 0 : i32
    %add3A_47 = arith.addi %mul3A_2, %add3A_46 : i32
    %dma_start3A_48 = arith.constant 0 : i32
    %dma_start3A_49 = tpu.memref_slice %arg7[%dma_start3A_48] : memref<512xf32, #tpu.memory_space<vmem>> -> memref<128xf32, #tpu.memory_space<vmem>>
    %dma_start3A_50 = tpu.memref_slice %arg4[%add3A_47] : memref<16384xf32, #tpu.memory_space<hbm>> -> memref<128xf32, #tpu.memory_space<hbm>>
    %dma_start3A_51 = tpu.memref_slice %arg4[%add3A_47] : memref<16384xf32, #tpu.memory_space<hbm>> -> memref<128xf32, #tpu.memory_space<hbm>>
    %dma_start3A_52 = arith.constant 0 : i32
    %dma_start3A_53 = tpu.memref_slice %arg7[%dma_start3A_52] : memref<512xf32, #tpu.memory_space<vmem>> -> memref<128xf32, #tpu.memory_space<vmem>>
    tpu.enqueue_dma source(%dma_start3A_53 : memref<128xf32, #tpu.memory_space<vmem>>) target(%dma_start3A_51 : memref<128xf32, #tpu.memory_space<hbm>>) target_semaphore(%arg9 : memref<!tpu.dma_semaphore, #tpu.memory_space<semaphore_mem>>)
    %dma_wait3A_54 = arith.constant 1 : i32
    %dma_wait3A_55 = arith.constant 128 : i32
    %dma_wait3A_56 = tpu.memref_slice %arg6[%dma_wait3A_55] : memref<512xf32, #tpu.memory_space<vmem>> -> memref<128xf32, #tpu.memory_space<vmem>>
    %dma_wait3A_57 = arith.constant 0 : i32
    %dma_wait3A_58 = tpu.memref_slice %arg5[%dma_wait3A_54, %dma_wait3A_57] : memref<4x128xi32, #tpu.memory_space<vmem>> -> memref<1x128xi32, #tpu.memory_space<vmem>>
    %dma_wait3A_59 = tpu.memref_squeeze %dma_wait3A_58 : memref<1x128xi32, #tpu.memory_space<vmem>> -> memref<128xi32, #tpu.memory_space<vmem>>
    %dma_wait3A_60 = arith.constant 0 : i32
    %dma_wait3A_61 = tpu.memref_slice %arg3[%dma_wait3A_60] : memref<1000000xf32, #tpu.memory_space<hbm>> -> memref<1000000xf32, #tpu.memory_space<hbm>>
    tpu.wait_indirect_dma semaphore(%arg8 : memref<!tpu.dma_semaphore, #tpu.memory_space<semaphore_mem>>) src(%dma_wait3A_61 : memref<1000000xf32, #tpu.memory_space<hbm>>) dst(%dma_wait3A_56 : memref<128xf32, #tpu.memory_space<vmem>>)
    %scan3A_62 = arith.constant 0 : i32
    %scan3A_63 = arith.constant 8 : i32
    %scan3A_64 = arith.constant 8 : i32
    %scan3A_65 = arith.addi %scan3A_63, %scan3A_64 : i32
    %scan3A_66 = arith.constant 1 : i32
    scf.for %scan3A_144 = %scan3A_63 to %scan3A_65 step %scan3A_66  : i32 {
      %mul3A_145 = arith.constant 16 : i32
      %mul3A_146 = arith.muli %scan3A_144, %mul3A_145 : i32
      %get3A = arith.index_cast %mul3A_146 : i32 to index
      %get3A_147 = tpu.vector_load %arg6[%get3A] {strides = array<i32>} : memref<512xf32, #tpu.memory_space<vmem>>, vector<16xf32>,
      %get3A_148 = vector.shape_cast %get3A_147 : vector<16xf32> to vector<16xf32>
      %neg3A = arith.constant 0.000000e+00 : f32
      %neg3A_149 = vector.broadcast %neg3A : f32 to vector<16xf32>
      %neg3A_150 = arith.subf %neg3A_149, %get3A_148 : vector<16xf32>
      %exp3A = math.exp %neg3A_150 : vector<16xf32>
      %add3A_151 = arith.constant 1.000000e+00 : f32
      %add3A_152 = vector.broadcast %add3A_151 : f32 to vector<16xf32>
      %add3A_153 = arith.addf %add3A_152, %exp3A : vector<16xf32>
      %div3A = arith.constant 1.900000e+01 : f32
      %div3A_154 = vector.broadcast %div3A : f32 to vector<16xf32>
      %div3A_155 = arith.divf %div3A_154, %add3A_153 : vector<16xf32>
      %add3A_156 = arith.constant 1.000000e+00 : f32
      %add3A_157 = vector.broadcast %add3A_156 : f32 to vector<16xf32>
      %add3A_158 = arith.addf %add3A_157, %div3A_155 : vector<16xf32>
      %mul3A_159 = arith.constant 16 : i32
      %mul3A_160 = arith.muli %scan3A_144, %mul3A_159 : i32
      %swap3A = arith.index_cast %mul3A_160 : i32 to index
      %swap3A_161 = tpu.vector_load %arg7[%swap3A] {strides = array<i32>} : memref<512xf32, #tpu.memory_space<vmem>>, vector<16xf32>,
      %swap3A_162 = vector.shape_cast %swap3A_161 : vector<16xf32> to vector<16xf32>
      %swap3A_163 = vector.shape_cast %add3A_158 : vector<16xf32> to vector<16xf32>
      tpu.vector_store %arg7[%swap3A], %swap3A_163 {strides = array<i32>} : memref<512xf32, #tpu.memory_space<vmem>>, vector<16xf32>,
    }
    %scan3A_67 = arith.constant 8 : i32
    %add3A_68 = arith.constant 128 : i32
    %add3A_69 = arith.addi %mul3A_2, %add3A_68 : i32
    %dma_start3A_70 = arith.constant 128 : i32
    %dma_start3A_71 = tpu.memref_slice %arg7[%dma_start3A_70] : memref<512xf32, #tpu.memory_space<vmem>> -> memref<128xf32, #tpu.memory_space<vmem>>
    %dma_start3A_72 = tpu.memref_slice %arg4[%add3A_69] : memref<16384xf32, #tpu.memory_space<hbm>> -> memref<128xf32, #tpu.memory_space<hbm>>
    %dma_start3A_73 = tpu.memref_slice %arg4[%add3A_69] : memref<16384xf32, #tpu.memory_space<hbm>> -> memref<128xf32, #tpu.memory_space<hbm>>
    %dma_start3A_74 = arith.constant 128 : i32
    %dma_start3A_75 = tpu.memref_slice %arg7[%dma_start3A_74] : memref<512xf32, #tpu.memory_space<vmem>> -> memref<128xf32, #tpu.memory_space<vmem>>
    tpu.enqueue_dma source(%dma_start3A_75 : memref<128xf32, #tpu.memory_space<vmem>>) target(%dma_start3A_73 : memref<128xf32, #tpu.memory_space<hbm>>) target_semaphore(%arg9 : memref<!tpu.dma_semaphore, #tpu.memory_space<semaphore_mem>>)
    %dma_wait3A_76 = arith.constant 2 : i32
    %dma_wait3A_77 = arith.constant 256 : i32
    %dma_wait3A_78 = tpu.memref_slice %arg6[%dma_wait3A_77] : memref<512xf32, #tpu.memory_space<vmem>> -> memref<128xf32, #tpu.memory_space<vmem>>
    %dma_wait3A_79 = arith.constant 0 : i32
    %dma_wait3A_80 = tpu.memref_slice %arg5[%dma_wait3A_76, %dma_wait3A_79] : memref<4x128xi32, #tpu.memory_space<vmem>> -> memref<1x128xi32, #tpu.memory_space<vmem>>
    %dma_wait3A_81 = tpu.memref_squeeze %dma_wait3A_80 : memref<1x128xi32, #tpu.memory_space<vmem>> -> memref<128xi32, #tpu.memory_space<vmem>>
    %dma_wait3A_82 = arith.constant 0 : i32
    %dma_wait3A_83 = tpu.memref_slice %arg3[%dma_wait3A_82] : memref<1000000xf32, #tpu.memory_space<hbm>> -> memref<1000000xf32, #tpu.memory_space<hbm>>
    tpu.wait_indirect_dma semaphore(%arg8 : memref<!tpu.dma_semaphore, #tpu.memory_space<semaphore_mem>>) src(%dma_wait3A_83 : memref<1000000xf32, #tpu.memory_space<hbm>>) dst(%dma_wait3A_78 : memref<128xf32, #tpu.memory_space<vmem>>)
    %scan3A_84 = arith.constant 0 : i32
    %scan3A_85 = arith.constant 16 : i32
    %scan3A_86 = arith.constant 8 : i32
    %scan3A_87 = arith.addi %scan3A_85, %scan3A_86 : i32
    %scan3A_88 = arith.constant 1 : i32
    scf.for %scan3A_144 = %scan3A_85 to %scan3A_87 step %scan3A_88  : i32 {
      %mul3A_145 = arith.constant 16 : i32
      %mul3A_146 = arith.muli %scan3A_144, %mul3A_145 : i32
      %get3A = arith.index_cast %mul3A_146 : i32 to index
      %get3A_147 = tpu.vector_load %arg6[%get3A] {strides = array<i32>} : memref<512xf32, #tpu.memory_space<vmem>>, vector<16xf32>,
      %get3A_148 = vector.shape_cast %get3A_147 : vector<16xf32> to vector<16xf32>
      %neg3A = arith.constant 0.000000e+00 : f32
      %neg3A_149 = vector.broadcast %neg3A : f32 to vector<16xf32>
      %neg3A_150 = arith.subf %neg3A_149, %get3A_148 : vector<16xf32>
      %exp3A = math.exp %neg3A_150 : vector<16xf32>
      %add3A_151 = arith.constant 1.000000e+00 : f32
      %add3A_152 = vector.broadcast %add3A_151 : f32 to vector<16xf32>
      %add3A_153 = arith.addf %add3A_152, %exp3A : vector<16xf32>
      %div3A = arith.constant 1.900000e+01 : f32
      %div3A_154 = vector.broadcast %div3A : f32 to vector<16xf32>
      %div3A_155 = arith.divf %div3A_154, %add3A_153 : vector<16xf32>
      %add3A_156 = arith.constant 1.000000e+00 : f32
      %add3A_157 = vector.broadcast %add3A_156 : f32 to vector<16xf32>
      %add3A_158 = arith.addf %add3A_157, %div3A_155 : vector<16xf32>
      %mul3A_159 = arith.constant 16 : i32
      %mul3A_160 = arith.muli %scan3A_144, %mul3A_159 : i32
      %swap3A = arith.index_cast %mul3A_160 : i32 to index
      %swap3A_161 = tpu.vector_load %arg7[%swap3A] {strides = array<i32>} : memref<512xf32, #tpu.memory_space<vmem>>, vector<16xf32>,
      %swap3A_162 = vector.shape_cast %swap3A_161 : vector<16xf32> to vector<16xf32>
      %swap3A_163 = vector.shape_cast %add3A_158 : vector<16xf32> to vector<16xf32>
      tpu.vector_store %arg7[%swap3A], %swap3A_163 {strides = array<i32>} : memref<512xf32, #tpu.memory_space<vmem>>, vector<16xf32>,
    }
    %scan3A_89 = arith.constant 8 : i32
    %add3A_90 = arith.constant 256 : i32
    %add3A_91 = arith.addi %mul3A_2, %add3A_90 : i32
    %dma_start3A_92 = arith.constant 256 : i32
    %dma_start3A_93 = tpu.memref_slice %arg7[%dma_start3A_92] : memref<512xf32, #tpu.memory_space<vmem>> -> memref<128xf32, #tpu.memory_space<vmem>>
    %dma_start3A_94 = tpu.memref_slice %arg4[%add3A_91] : memref<16384xf32, #tpu.memory_space<hbm>> -> memref<128xf32, #tpu.memory_space<hbm>>
    %dma_start3A_95 = tpu.memref_slice %arg4[%add3A_91] : memref<16384xf32, #tpu.memory_space<hbm>> -> memref<128xf32, #tpu.memory_space<hbm>>
    %dma_start3A_96 = arith.constant 256 : i32
    %dma_start3A_97 = tpu.memref_slice %arg7[%dma_start3A_96] : memref<512xf32, #tpu.memory_space<vmem>> -> memref<128xf32, #tpu.memory_space<vmem>>
    tpu.enqueue_dma source(%dma_start3A_97 : memref<128xf32, #tpu.memory_space<vmem>>) target(%dma_start3A_95 : memref<128xf32, #tpu.memory_space<hbm>>) target_semaphore(%arg9 : memref<!tpu.dma_semaphore, #tpu.memory_space<semaphore_mem>>)
    %dma_wait3A_98 = arith.constant 3 : i32
    %dma_wait3A_99 = arith.constant 384 : i32
    %dma_wait3A_100 = tpu.memref_slice %arg6[%dma_wait3A_99] : memref<512xf32, #tpu.memory_space<vmem>> -> memref<128xf32, #tpu.memory_space<vmem>>
    %dma_wait3A_101 = arith.constant 0 : i32
    %dma_wait3A_102 = tpu.memref_slice %arg5[%dma_wait3A_98, %dma_wait3A_101] : memref<4x128xi32, #tpu.memory_space<vmem>> -> memref<1x128xi32, #tpu.memory_space<vmem>>
    %dma_wait3A_103 = tpu.memref_squeeze %dma_wait3A_102 : memref<1x128xi32, #tpu.memory_space<vmem>> -> memref<128xi32, #tpu.memory_space<vmem>>
    %dma_wait3A_104 = arith.constant 0 : i32
    %dma_wait3A_105 = tpu.memref_slice %arg3[%dma_wait3A_104] : memref<1000000xf32, #tpu.memory_space<hbm>> -> memref<1000000xf32, #tpu.memory_space<hbm>>
    tpu.wait_indirect_dma semaphore(%arg8 : memref<!tpu.dma_semaphore, #tpu.memory_space<semaphore_mem>>) src(%dma_wait3A_105 : memref<1000000xf32, #tpu.memory_space<hbm>>) dst(%dma_wait3A_100 : memref<128xf32, #tpu.memory_space<vmem>>)
    %scan3A_106 = arith.constant 0 : i32
    %scan3A_107 = arith.constant 24 : i32
    %scan3A_108 = arith.constant 8 : i32
    %scan3A_109 = arith.addi %scan3A_107, %scan3A_108 : i32
    %scan3A_110 = arith.constant 1 : i32
    scf.for %scan3A_144 = %scan3A_107 to %scan3A_109 step %scan3A_110  : i32 {
      %mul3A_145 = arith.constant 16 : i32
      %mul3A_146 = arith.muli %scan3A_144, %mul3A_145 : i32
      %get3A = arith.index_cast %mul3A_146 : i32 to index
      %get3A_147 = tpu.vector_load %arg6[%get3A] {strides = array<i32>} : memref<512xf32, #tpu.memory_space<vmem>>, vector<16xf32>,
      %get3A_148 = vector.shape_cast %get3A_147 : vector<16xf32> to vector<16xf32>
      %neg3A = arith.constant 0.000000e+00 : f32
      %neg3A_149 = vector.broadcast %neg3A : f32 to vector<16xf32>
      %neg3A_150 = arith.subf %neg3A_149, %get3A_148 : vector<16xf32>
      %exp3A = math.exp %neg3A_150 : vector<16xf32>
      %add3A_151 = arith.constant 1.000000e+00 : f32
      %add3A_152 = vector.broadcast %add3A_151 : f32 to vector<16xf32>
      %add3A_153 = arith.addf %add3A_152, %exp3A : vector<16xf32>
      %div3A = arith.constant 1.900000e+01 : f32
      %div3A_154 = vector.broadcast %div3A : f32 to vector<16xf32>
      %div3A_155 = arith.divf %div3A_154, %add3A_153 : vector<16xf32>
      %add3A_156 = arith.constant 1.000000e+00 : f32
      %add3A_157 = vector.broadcast %add3A_156 : f32 to vector<16xf32>
      %add3A_158 = arith.addf %add3A_157, %div3A_155 : vector<16xf32>
      %mul3A_159 = arith.constant 16 : i32
      %mul3A_160 = arith.muli %scan3A_144, %mul3A_159 : i32
      %swap3A = arith.index_cast %mul3A_160 : i32 to index
      %swap3A_161 = tpu.vector_load %arg7[%swap3A] {strides = array<i32>} : memref<512xf32, #tpu.memory_space<vmem>>, vector<16xf32>,
      %swap3A_162 = vector.shape_cast %swap3A_161 : vector<16xf32> to vector<16xf32>
      %swap3A_163 = vector.shape_cast %add3A_158 : vector<16xf32> to vector<16xf32>
      tpu.vector_store %arg7[%swap3A], %swap3A_163 {strides = array<i32>} : memref<512xf32, #tpu.memory_space<vmem>>, vector<16xf32>,
    }
    %scan3A_111 = arith.constant 8 : i32
    %add3A_112 = arith.constant 384 : i32
    %add3A_113 = arith.addi %mul3A_2, %add3A_112 : i32
    %dma_start3A_114 = arith.constant 384 : i32
    %dma_start3A_115 = tpu.memref_slice %arg7[%dma_start3A_114] : memref<512xf32, #tpu.memory_space<vmem>> -> memref<128xf32, #tpu.memory_space<vmem>>
    %dma_start3A_116 = tpu.memref_slice %arg4[%add3A_113] : memref<16384xf32, #tpu.memory_space<hbm>> -> memref<128xf32, #tpu.memory_space<hbm>>
    %dma_start3A_117 = tpu.memref_slice %arg4[%add3A_113] : memref<16384xf32, #tpu.memory_space<hbm>> -> memref<128xf32, #tpu.memory_space<hbm>>
    %dma_start3A_118 = arith.constant 384 : i32
    %dma_start3A_119 = tpu.memref_slice %arg7[%dma_start3A_118] : memref<512xf32, #tpu.memory_space<vmem>> -> memref<128xf32, #tpu.memory_space<vmem>>
    tpu.enqueue_dma source(%dma_start3A_119 : memref<128xf32, #tpu.memory_space<vmem>>) target(%dma_start3A_117 : memref<128xf32, #tpu.memory_space<hbm>>) target_semaphore(%arg9 : memref<!tpu.dma_semaphore, #tpu.memory_space<semaphore_mem>>)
    %dma_wait3A_120 = arith.constant 0 : i32
    %dma_wait3A_121 = tpu.memref_slice %arg7[%dma_wait3A_120] : memref<512xf32, #tpu.memory_space<vmem>> -> memref<128xf32, #tpu.memory_space<vmem>>
    %dma_wait3A_122 = tpu.memref_slice %arg4[%add3A_47] : memref<16384xf32, #tpu.memory_space<hbm>> -> memref<128xf32, #tpu.memory_space<hbm>>
    %dma_wait3A_123 = tpu.memref_slice %arg4[%add3A_47] : memref<16384xf32, #tpu.memory_space<hbm>> -> memref<128xf32, #tpu.memory_space<hbm>>
    %dma_wait3A_124 = arith.constant 0 : i32
    %dma_wait3A_125 = tpu.memref_slice %arg7[%dma_wait3A_124] : memref<512xf32, #tpu.memory_space<vmem>> -> memref<128xf32, #tpu.memory_space<vmem>>
    tpu.wait_dma2 semaphore(%arg9 : memref<!tpu.dma_semaphore, #tpu.memory_space<semaphore_mem>>) src(%dma_wait3A_125 : memref<128xf32, #tpu.memory_space<vmem>>) dst(%dma_wait3A_123 : memref<128xf32, #tpu.memory_space<hbm>>)
    %dma_wait3A_126 = arith.constant 128 : i32
    %dma_wait3A_127 = tpu.memref_slice %arg7[%dma_wait3A_126] : memref<512xf32, #tpu.memory_space<vmem>> -> memref<128xf32, #tpu.memory_space<vmem>>
    %dma_wait3A_128 = tpu.memref_slice %arg4[%add3A_69] : memref<16384xf32, #tpu.memory_space<hbm>> -> memref<128xf32, #tpu.memory_space<hbm>>
    %dma_wait3A_129 = tpu.memref_slice %arg4[%add3A_69] : memref<16384xf32, #tpu.memory_space<hbm>> -> memref<128xf32, #tpu.memory_space<hbm>>
    %dma_wait3A_130 = arith.constant 128 : i32
    %dma_wait3A_131 = tpu.memref_slice %arg7[%dma_wait3A_130] : memref<512xf32, #tpu.memory_space<vmem>> -> memref<128xf32, #tpu.memory_space<vmem>>
    tpu.wait_dma2 semaphore(%arg9 : memref<!tpu.dma_semaphore, #tpu.memory_space<semaphore_mem>>) src(%dma_wait3A_131 : memref<128xf32, #tpu.memory_space<vmem>>) dst(%dma_wait3A_129 : memref<128xf32, #tpu.memory_space<hbm>>)
    %dma_wait3A_132 = arith.constant 256 : i32
    %dma_wait3A_133 = tpu.memref_slice %arg7[%dma_wait3A_132] : memref<512xf32, #tpu.memory_space<vmem>> -> memref<128xf32, #tpu.memory_space<vmem>>
    %dma_wait3A_134 = tpu.memref_slice %arg4[%add3A_91] : memref<16384xf32, #tpu.memory_space<hbm>> -> memref<128xf32, #tpu.memory_space<hbm>>
    %dma_wait3A_135 = tpu.memref_slice %arg4[%add3A_91] : memref<16384xf32, #tpu.memory_space<hbm>> -> memref<128xf32, #tpu.memory_space<hbm>>
    %dma_wait3A_136 = arith.constant 256 : i32
    %dma_wait3A_137 = tpu.memref_slice %arg7[%dma_wait3A_136] : memref<512xf32, #tpu.memory_space<vmem>> -> memref<128xf32, #tpu.memory_space<vmem>>
    tpu.wait_dma2 semaphore(%arg9 : memref<!tpu.dma_semaphore, #tpu.memory_space<semaphore_mem>>) src(%dma_wait3A_137 : memref<128xf32, #tpu.memory_space<vmem>>) dst(%dma_wait3A_135 : memref<128xf32, #tpu.memory_space<hbm>>)
    %dma_wait3A_138 = arith.constant 384 : i32
    %dma_wait3A_139 = tpu.memref_slice %arg7[%dma_wait3A_138] : memref<512xf32, #tpu.memory_space<vmem>> -> memref<128xf32, #tpu.memory_space<vmem>>
    %dma_wait3A_140 = tpu.memref_slice %arg4[%add3A_113] : memref<16384xf32, #tpu.memory_space<hbm>> -> memref<128xf32, #tpu.memory_space<hbm>>
    %dma_wait3A_141 = tpu.memref_slice %arg4[%add3A_113] : memref<16384xf32, #tpu.memory_space<hbm>> -> memref<128xf32, #tpu.memory_space<hbm>>
    %dma_wait3A_142 = arith.constant 384 : i32
    %dma_wait3A_143 = tpu.memref_slice %arg7[%dma_wait3A_142] : memref<512xf32, #tpu.memory_space<vmem>> -> memref<128xf32, #tpu.memory_space<vmem>>
    tpu.wait_dma2 semaphore(%arg9 : memref<!tpu.dma_semaphore, #tpu.memory_space<semaphore_mem>>) src(%dma_wait3A_143 : memref<128xf32, #tpu.memory_space<vmem>>) dst(%dma_wait3A_141 : memref<128xf32, #tpu.memory_space<hbm>>)
    return
  }
}

</mosaic_0001>

<sc_bundles>
// kernel: kernel.3.cloned.1.call-start
scs
__scs_entry_jumppad:
0x0: {  	(pc) =	sbr.rel $0x88, $3  }
0x1: {  	(tag) =	ssettag $0x0;
	lr =	simm.s32 $0x1  }
0x2: {  	[smem:$0x3F9F] =	sst lr;
	_ =	strace $0xD0000000  }
0x3: {  	_ = 	snop  }
0x4: {  	_ = 	snop  }
0x5: {  	_ = 	snop  }
0x6: {  	_ = 	snop  }
0x7: {  	_ = 	snop  }
__scs_overlays_trampoline_lowered:
0x8: {  	[smem:$0x3FAE] =	sst s0  }
0x9: {  	[smem:$0x3FAF] =	sst s1  }
0xa: {  	[smem:$0x3FB0] =	sst s2  }
0xb: {  	[smem:$0x3FB1] =	sst s3  }
0xc: {  	[smem:$0x3FB2] =	sst s4  }
0xd: {  	[smem:$0x3FB3] =	sst s5  }
0xe: {  	[smem:$0x3FB4] =	sst s6  }
0xf: {  	[smem:$0x3FB5] =	sst s7  }
0x10: {  	[smem:$0x3FB6] =	sst s8  }
0x11: {  	[smem:$0x3FB7] =	sst s9;
	s0 =	simm.s32 @!p0 $0x0  }
0x12: {  	s1 =	sld [smem:$0x3F9D];
	s0 =	simm.s32 @p0 $0x1  }
0x13: {  	[smem:$0x3FB8] =	sst s0;
	s0 =	simm.s32 @!p1 $0x0  }
0x14: {  	s2 =	sld [smem:$0x3F9C];
	s0 =	simm.s32 @p1 $0x1  }
0x15: {  	[smem:$0x3FB9] =	sst s0;
	s0 =	simm.s32 @!p2 $0x0  }
0x16: {  	s3 =	sld [smem:$0x3FDB];
	s0 =	simm.s32 @p2 $0x1  }
0x17: {  	s4 =	simm.s32 $0x1BF5;
	[smem:$0x3FBB] =	sst s0  }
0x18: {  	s0 =	sld [smem:$0x3F9E];
	_ =	swait.ge [sflag:s4], $0x0  }
0x19: {  	s7 =	sld [smem:$0x3F9F]  }
0x1a: {  	s8 =	sadd.s32 $0xFFFFE003, lr  }
0x1b: {  	s9 =	sadd.s32 $0xFFFFFEF7, lr;
	s5 =	simm.s32 $0xFFFFFFFF;
	p2 =	slt.u32 s8, $0xFFFFF086  }
0x1c: {  	p1 =	slt.u32 s9, $0xF7A;
	s5 =	simm.s32 @!p2 $0x0  }
0x1d: {  	s5 =	simm.s32 @p1 $0x1;
	p0 =	seq.s32 s7, s2  }
0x1e: {  	s7 =	smul.u32 @!p0 $0xF7A, s2;
	p2 =	seq.s32 @!p0 s5, $0x0  }
0x1f: {  	s9 =	smul.u32 $0xF7A, s1;
	s8 =	simm.s32 @!p0 $0x1BF5;
	p2 =	por !p2, p0  }
0x20: {  	[sflag:s8] =	ssyncset.s32 @!p0 $0xFFFFF086;
	s6 =	sadd.s32 @!p0 s3, s7;
	s7 =	simm.s32 @!p0 $0x108  }
0x21: {  	s3 =	sadd.s32 s3, s9;
	s6 =	sadd.s32 @!p0 $0x88, s6;
	s7 =	simm.s32 @p2 $0x1082  }
0x22: {  	[simem:s7], [sflag:s8] =	dma.local @!p0 [hbm:s6], $0xF7A  }
0x23: {  	s9 =	sor.u32 $0xD0000000, s2;
	s6 =	simm.s32 $0x108;
	_ =	swait.ge @!p0 [sflag:s8], $0x0  }
0x24: {  	s3 =	sadd.s32 $0x88, s3;
	s6 =	simm.s32 @!p1 $0x1082;
	[sflag:s4] =	ssyncset.s32 $0xFFFFF086  }
0x25: {  	[simem:s6], [sflag:s4] =	dma.local [hbm:s3], $0xF7A  }
0x26: {  	[smem:$0x3F9F] =	sst s1;
	(tag) =	ssettag s2;
	_ =	strace s9  }
0x27: {  	s1 =	sld [smem:$0x3FAF]  }
0x28: {  	s2 =	sld [smem:$0x3FB0]  }
0x29: {  	s4 =	sld [smem:$0x3FB2]  }
0x2a: {  	p0 =	seq.s32 s5, $0x0;
	s5 =	sld [smem:$0x3FB3]  }
0x2b: {  	s6 =	sld [smem:$0x3FB4]  }
0x2c: {  	s7 =	sld [smem:$0x3FB5]  }
0x2d: {  	s3 =	simm.s32 $0x108;
	s8 =	sld [smem:$0x3FB6]  }
0x2e: {  	s3 =	simm.s32 @!p0 $0x1082;
	s9 =	sld [smem:$0x3FB7]  }
0x2f: {  	lr =	sadd.s32 s0, s3;
	s0 =	sld [smem:$0x3FAE]  }
0x30: {  	s3 =	sld [smem:$0x3FB1]  }
0x31: {  	[smem:$0x3FBA] =	sst s10  }
0x32: {  	s10 =	sld [smem:$0x3FB8];
	_ =	sdelay $0x3  }
0x33: {  	p0 =	seq.s32 s10, $0x1;
	s10 =	sld [smem:$0x3FBA];
	_ =	sdelay $0x3  }
0x34: {  	[smem:$0x3FBA] =	sst s10  }
0x35: {  	s10 =	sld [smem:$0x3FB9];
	_ =	sdelay $0x3  }
0x36: {  	p1 =	seq.s32 s10, $0x1;
	s10 =	sld [smem:$0x3FBA];
	_ =	sdelay $0x3  }
0x37: {  	[smem:$0x3FBA] =	sst s10  }
0x38: {  	s10 =	sld [smem:$0x3FBB]  }
0x39: {  	_ = 	snop;
	(pc) =	sbr.ind lr, $3  }
0x3a: {  	_ = 	snop  }
0x3b: {  	_ = 	snop  }
0x3c: {  	p2 =	seq.s32 s10, $0x1;
	s10 =	sld [smem:$0x3FBA]  }
0x3d: {  	_ =	shalt  }
0x3e: {  	_ =	shalt  }
0x3f: {  	_ =	shalt  }
0x40: {  	_ =	shalt  }
0x41: {  	_ =	shalt  }
0x42: {  	_ =	shalt  }
0x43: {  	_ =	shalt  }
0x44: {  	_ =	shalt  }
0x45: {  	_ =	shalt  }
0x46: {  	_ =	shalt  }
0x47: {  	_ =	shalt  }
0x48: {  	_ =	shalt  }
0x49: {  	_ =	shalt  }
0x4a: {  	_ =	shalt  }
0x4b: {  	_ =	shalt  }
0x4c: {  	_ =	shalt  }
0x4d: {  	_ =	shalt  }
0x4e: {  	_ =	shalt  }
0x4f: {  	_ =	shalt  }
0x50: {  	_ =	shalt  }
0x51: {  	_ =	shalt  }
0x52: {  	_ =	shalt  }
0x53: {  	_ =	shalt  }
0x54: {  	_ =	shalt  }
0x55: {  	_ =	shalt  }
0x56: {  	_ =	shalt  }
0x57: {  	_ =	shalt  }
0x58: {  	_ =	shalt  }
0x59: {  	_ =	shalt  }
0x5a: {  	_ =	shalt  }
0x5b: {  	_ =	shalt  }
0x5c: {  	_ =	shalt  }
0x5d: {  	_ =	shalt  }
0x5e: {  	_ =	shalt  }
0x5f: {  	_ =	shalt  }
0x60: {  	_ =	shalt  }
0x61: {  	_ =	shalt  }
0x62: {  	_ =	shalt  }
0x63: {  	_ =	shalt  }
0x64: {  	_ =	shalt  }
0x65: {  	_ =	shalt  }
0x66: {  	_ =	shalt  }
0x67: {  	_ =	shalt  }
0x68: {  	_ =	shalt  }
0x69: {  	_ =	shalt  }
0x6a: {  	_ =	shalt  }
0x6b: {  	_ =	shalt  }
0x6c: {  	_ =	shalt  }
0x6d: {  	_ =	shalt  }
0x6e: {  	_ =	shalt  }
0x6f: {  	_ =	shalt  }
0x70: {  	_ =	shalt  }
0x71: {  	_ =	shalt  }
0x72: {  	_ =	shalt  }
0x73: {  	_ =	shalt  }
0x74: {  	_ =	shalt  }
0x75: {  	_ =	shalt  }
0x76: {  	_ =	shalt  }
0x77: {  	_ =	shalt  }
0x78: {  	_ =	shalt  }
0x79: {  	_ =	shalt  }
0x7a: {  	_ =	shalt  }
0x7b: {  	_ =	shalt  }
0x7c: {  	_ =	shalt  }
0x7d: {  	_ =	shalt  }
0x7e: {  	_ =	shalt  }
0x7f: {  	_ =	shalt  }
0x80: {  	_ =	shalt  }
0x81: {  	_ =	shalt  }
0x82: {  	_ =	shalt  }
0x83: {  	_ =	shalt  }
0x84: {  	_ =	shalt  }
0x85: {  	_ =	shalt  }
0x86: {  	_ =	shalt  }
0x87: {  	_ =	shalt  }
.Lfunc_end0:
.L_simem_size_0:
called_computation_lowered:
.L_overlay_start_0:
0x88: {  	s2 =	sld [smem:$0x3FD9]  }
0x89: {  	s3 =	sld [smem:$0x3FFE];
	_ =	sdelay $0x1  }
0x8a: {  	s1 =	srdreg.scid  }
0x8b: {  	s0 =	sand.u32 $0x1, s1  }
0x8c: {  	s18 =	sshll.u32 s0, $0xA;
	s2 =	sadd.s32 s3, s2  }
0x8d: {  	s2 =	sadd.s32 s2, s18  }
0x8e: {  	[smem:$0x3FC6] =	sst s2  }
0x8f: {  	_ = 	snop  }
0x90: {  	s2 =	sld [smem:$0x3FC9]  }
0x91: {  	s19 =	sld [smem:$0x3FC8]  }
0x92: {  	s4 =	sld [smem:$0x3FD0];
	(tm) =	ssettm $0x1  }
0x93: {  	s5 =	sld [smem:$0x3FFB];
	_ =	sdelay $0x3  }
0x94: {  	_ =	strace s5  }
0x95: {  	s5 =	sld [smem:$0x3FFC];
	_ =	sdelay $0x3  }
0x96: {  	_ =	strace s5  }
0x97: {  	s5 =	sld [smem:$0x3FFD];
	_ =	sdelay $0x3  }
0x98: {  	_ =	strace s5  }
0x99: {  	_ =	strace $0x8FFFFFFF  }
0x9a: {  	s20 =	sld [smem:$0x3FDB];
	_ =	sdelay $0x1  }
0x9b: {  	s6 =	simm.s32 $_scs_section_size  }
0x9c: {  	s7 =	simm.s32 $_size__tile_overlayer_lowered;
	s8 =	simm.s32 $_tile_overlayer_lowered  }
0x9d: {  	s23 =	simm.s32 $0x1BFF;
	s22 =	sshll.u32 s8, $0x1;
	s5 =	sadd.s32 s6, s20  }
0x9e: {  	s9 =	simm.s32 $0x0;
	s21 =	sshll.u32 s7, $0x1;
	s7 =	sadd.s32 s22, s5  }
0x9f: {  	[timem:s9], [sflag:s23] =	dma.local [hbm:s7], s21  }
0xa0: {  	_ =	swait.ge [sflag:s23], s21  }
0xa1: {  	s6 =	ssub.s32 $0x0, s21;
	[sflag:s23] =	ssyncset.done $0x0  }
0xa2: {  	[sflag:s23] =	ssyncadd.s32 s6;
	_ =	sdelay $0x1  }
0xa3: {  	s24 =	simm.s32 $0x1B8B  }
0xa4: {  	_ =	swait.ge [sflag:s24], $0x1  }
0xa5: {  	[sflag:s24] =	ssyncset.done $0x0  }
0xa6: {  	s25 =	simm.s32 $0x1B8E;
	[sflag:s24] =	ssyncadd.s32 $0xFFFFFFFF  }
0xa7: {  	s26 =	simm.s32 $execute0_lowered;
	[smem:$0x3FD2] =	sst s25  }
0xa8: {  	s6 =	sshll.u32 s26, $0x1;
	_ =	strace $0x80000046;
	[dreg:$0x1] =	wrdreg $0xFFFFFFFF  }
0xa9: {  	s28 =	simm.s32 $_size_execute0_lowered;
	s5 =	sadd.s32 s5, s6;
	[dreg:$0x0] =	wrdreg $0x0  }
0xaa: {  	s6 =	sshll.u32 s28, $0x1;
	[dreg:$0x2] =	wrdreg s5  }
0xab: {  	[dreg:$0x3] =	wrdreg s6  }
0xac: {  	[dreg:$0x4] =	wrdreg $0xC0  }
0xad: {  	_ =	task [dreg:s9], $0x5FFFF  }
0xae: {  	[dreg:$0x1] =	wrdreg $0xFFFFFFFF  }
0xaf: {  	[dreg:$0x0] =	wrdreg $0x60  }
0xb0: {  	[dreg:$0x2] =	wrdreg s2  }
0xb1: {  	[dreg:$0x3] =	wrdreg s19  }
0xb2: {  	[dreg:$0x4] =	wrdreg s4  }
0xb3: {  	[dreg:$0x5] =	wrdreg $0x9  }
0xb4: {  	_ =	task.clear_ibuf [dreg:s9], $0x6FFFF;
	_ =	strace $0x90000046  }
0xb5: {  	s29 =	simm.s32 $0x9;
	_ =	strace $0x80000048  }
0xb6: {  	_ =	swait.ge [sflag:s29], $0x1  }
0xb7: {  	[sflag:s29] =	ssyncadd.s32 $0xFFFFFFFF  }
0xb8: {  	_ =	strace $0x90000048  }
0xb9: {  	_ =	sfence  }
0xba: {  	s30 =	sld [smem:$0x0];
	_ =	sdelay $0x2  }
0xbb: {  	s31 =	sshll.u32 s1, $0xD;
	s1 =	sshrl.u32 s1, $0x2  }
0xbc: {  	s3 =	sand.u32 $0x4000, s31;
	s1 =	sadd.s32 s1, s30  }
0xbd: {  	s0 =	sor.u32 s3, s0;
	s1 =	sshll.u32 s1, $0x11  }
0xbe: {  	s0 =	sor.u32 s1, s0  }
0xbf: {  	s0 =	sadd.s32 $0x8F2B, s0  }
0xc0: {  	[sflag:s0] =	ssyncadd.remote.s32 $0x1  }
0xc1: {  	_ =	sfence.sel $0xFFFF  }
0xc2: {  	[dreg:$0x0] =	wrdreg $0xFFFFFFFF;
	(pc) =	sbr.abs _section_cstart, $3  }
0xc3: {  	[dreg:$0x1] =	wrdreg $0xFFFFFFFF  }
0xc4: {  	_ =	task.clear_ibuf [dreg:s9], $0x2FFFF;
	_ =	strace $0x9FFFFFFF  }
0xc5: {  	(tm) =	ssettm $0x7FFFFFFF  }
tec
execute0_lowered:
.L_overlay_start_1:
0x0: {  	(tag) =	ssettag $0x1  }
0x1: {  	s4 =	rddreg [dreg:$0x0]  }
0x2: {  	s1 =	rddreg [dreg:$0x1]  }
0x3: {  	s5 =	rddreg [dreg:$0x2]  }
0x4: {  	s0 =	rddreg [dreg:$0x3];
	s3 =	simm.s32 $0x0;
	s6 =	srdreg.scid  }
0x5: {  	s2 =	stileid.u32;
	s10 =	simm.s32 $0x3;
	s11 =	simm.s32 $0x80  }
0x6: {  	s12 =	simm.s32 $0x200;
	s13 =	simm.s32 $0x280;
	s14 =	simm.s32 $0x100  }
0x7: {  	s15 =	simm.s32 $0x300;
	s16 =	simm.s32 $0x180;
	s17 =	simm.s32 $0x380  }
0x8: {  	s18 =	simm.s32 $0x1;
	s19 =	simm.s32 $0x400;
	s20 =	simm.s32 $0x480  }
0x9: {  	s21 =	simm.s32 $0x500;
	s22 =	simm.s32 $0x580;
	s6 =	sand.u32 $0x1, s6  }
0xa: {  	s8 =	sshll.u32 s2, $0x7;
	s7 =	ssub.s32 $0x2, s6;
	s6 =	sshll.u32 s6, $0x6  }
0xb: {  	s23 =	simm.s32 $0x2;
	[smem:$0x7FF] =	sst s3;
	s6 =	sor.u32 s6, s8  }
0xc: {  	_ =	strace $0x80000047;
	s9 =	sshrl.u32 s7, $0x1;
	s5 =	sadd.s32 s5, s6  }
0xd: {  	s9 =	ssub.s32 s7, s9;
	s4 =	sadd.s32 s4, s6;
	s6 =	sadd.s32 $0x10, s5  }
0xe: {  	s7 =	sadd.s32 $0x20, s5;
	s8 =	sadd.s32 $0x30, s5;
	s9 =	smax.u32 s9, $0x1  }
.LBB2_1:
0xf: {  	[tilespmem:s3], [sflag:$0x3] =	stream.linear.gather [hbm4b:s4+s3], $0x200, $0x38;
	[tilespmem:$0x600] =	vst v63  }
0x10: {  	_ =	swait.ge [sflag:s10], $0x200  }
0x11: {  	[sflag:s10] =	ssyncset.done $0x0  }
0x12: {  	[sflag:s10] =	ssyncadd.s32 $0xFFFFFE00  }
0x13: {  	[tilespmem:s12], [sflag:$0x1] =	stream.indirect.gather [hbm4b:s1+s11], $0x1, s3, s11, $0xb8;
	[tilespmem:$0x600] =	vst v63  }
0x14: {  	_ = 	snop  }
0x15: {  	[tilespmem:s13], [sflag:$0x1] =	stream.indirect.gather [hbm4b:s1+s11], $0x1, s11, s11, $0xb8;
	[tilespmem:$0x600] =	vst v63  }
0x16: {  	_ = 	snop  }
0x17: {  	[tilespmem:s15], [sflag:$0x1] =	stream.indirect.gather [hbm4b:s1+s11], $0x1, s14, s11, $0xb8;
	[tilespmem:$0x600] =	vst v63  }
0x18: {  	_ = 	snop  }
0x19: {  	[tilespmem:s17], [sflag:$0x1] =	stream.indirect.gather [hbm4b:s1+s11], $0x1, s16, s11, $0xb8;
	[tilespmem:$0x600] =	vst v63  }
0x1a: {  	_ =	swait.ge [sflag:s18], $0x80  }
0x1b: {  	[sflag:s18] =	ssyncset.done $0x0  }
0x1c: {  	[sflag:s18] =	ssyncadd.s32 $0xFFFFFF80  }
0x1d: {  	v0 =	vld [tilespmem:$0x200];
	_ =	sdelay $0x4  }
0x1e: {  	v0 =	vsub.f32 $0.0e+00, v0;
	_ =	sdelay $0x1  }
0x1f: {  	v0 =	vmul.f32 $1.442695020e+00, v0;
	_ =	sdelay $0x1  }
0x20: {  	(erf) = vpow2.f32 v0;
	_ =	sdelay $0x3  }
0x21: {  	v28 =	vld [tilespmem:$0x210];
	_ =	sdelay $0x4  }
0x22: {  	v0 =	vsub.f32 $0.0e+00, v28;
	v1 =	vpop (erf)  }
0x23: {  	v1 =	vadd.f32 $1.000000000e+00, v1  }
0x24: {  	v0 =	vmul.f32 $1.442695020e+00, v0  }
0x25: {  	(erf) = vrcp.f32 v1  }
0x26: {  	(erf) = vpow2.f32 v0;
	_ =	sdelay $0x3  }
0x27: {  	v29 =	vld [tilespmem:$0x220];
	_ =	sdelay $0x3  }
0x28: {  	v1 =	vpop (erf)  }
0x29: {  	v0 =	vsub.f32 $0.0e+00, v29;
	v2 =	vpop (erf)  }
0x2a: {  	v2 =	vadd.f32 $1.000000000e+00, v2  }
0x2b: {  	v0 =	vmul.f32 $1.442695020e+00, v0  }
0x2c: {  	(erf) = vrcp.f32 v2  }
0x2d: {  	(erf) = vpow2.f32 v0;
	_ =	sdelay $0x3  }
0x2e: {  	v30 =	vld [tilespmem:$0x230];
	_ =	sdelay $0x3  }
0x2f: {  	v2 =	vpop (erf)  }
0x30: {  	v0 =	vsub.f32 $0.0e+00, v30;
	v3 =	vpop (erf)  }
0x31: {  	v3 =	vadd.f32 $1.000000000e+00, v3  }
0x32: {  	v0 =	vmul.f32 $1.442695020e+00, v0  }
0x33: {  	(erf) = vrcp.f32 v3  }
0x34: {  	(erf) = vpow2.f32 v0;
	_ =	sdelay $0x3  }
0x35: {  	v31 =	vld [tilespmem:$0x240];
	_ =	sdelay $0x3  }
0x36: {  	v3 =	vpop (erf)  }
0x37: {  	v0 =	vsub.f32 $0.0e+00, v31;
	v4 =	vpop (erf)  }
0x38: {  	v4 =	vadd.f32 $1.000000000e+00, v4  }
0x39: {  	v0 =	vmul.f32 $1.442695020e+00, v0  }
0x3a: {  	(erf) = vrcp.f32 v4  }
0x3b: {  	(erf) = vpow2.f32 v0;
	_ =	sdelay $0x3  }
0x3c: {  	v32 =	vld [tilespmem:$0x250];
	_ =	sdelay $0x3  }
0x3d: {  	v4 =	vpop (erf)  }
0x3e: {  	v0 =	vsub.f32 $0.0e+00, v32;
	v5 =	vpop (erf)  }
0x3f: {  	v5 =	vadd.f32 $1.000000000e+00, v5  }
0x40: {  	v0 =	vmul.f32 $1.442695020e+00, v0  }
0x41: {  	(erf) = vrcp.f32 v5  }
0x42: {  	(erf) = vpow2.f32 v0;
	_ =	sdelay $0x3  }
0x43: {  	v33 =	vld [tilespmem:$0x260];
	_ =	sdelay $0x3  }
0x44: {  	v5 =	vpop (erf)  }
0x45: {  	v0 =	vsub.f32 $0.0e+00, v33;
	v6 =	vpop (erf)  }
0x46: {  	v6 =	vadd.f32 $1.000000000e+00, v6  }
0x47: {  	v0 =	vmul.f32 $1.442695020e+00, v0  }
0x48: {  	(erf) = vrcp.f32 v6  }
0x49: {  	(erf) = vpow2.f32 v0;
	_ =	sdelay $0x3  }
0x4a: {  	v34 =	vld [tilespmem:$0x270];
	_ =	sdelay $0x3  }
0x4b: {  	v6 =	vpop (erf)  }
0x4c: {  	v0 =	vsub.f32 $0.0e+00, v34;
	v7 =	vpop (erf)  }
0x4d: {  	v7 =	vadd.f32 $1.000000000e+00, v7  }
0x4e: {  	v0 =	vmul.f32 $1.442695020e+00, v0  }
0x4f: {  	(erf) = vrcp.f32 v7  }
0x50: {  	(erf) = vpow2.f32 v0;
	_ =	sdelay $0x7  }
0x51: {  	v35 =	vpop (erf)  }
0x52: {  	v36 =	vpop (erf)  }
0x53: {  	v7 =	vadd.f32 $1.000000000e+00, v36;
	_ =	sdelay $0x1  }
0x54: {  	(erf) = vrcp.f32 v7;
	_ =	sdelay $0x2  }
0x55: {  	v1 =	vmul.f32 $1.900000000e+01, v1  }
0x56: {  	v2 =	vmul.f32 $1.900000000e+01, v2  }
0x57: {  	v1 =	vadd.f32 $1.000000000e+00, v1;
	v3 =	vmul.f32 $1.900000000e+01, v3  }
0x58: {  	v2 =	vadd.f32 $1.000000000e+00, v2;
	v4 =	vmul.f32 $1.900000000e+01, v4  }
0x59: {  	[tilespmem:$0x400] =	vst v1;
	v37 =	vadd.f32 $1.000000000e+00, v3;
	v38 =	vmul.f32 $1.900000000e+01, v5  }
0x5a: {  	[tilespmem:$0x410] =	vst v2;
	v39 =	vadd.f32 $1.000000000e+00, v4;
	v40 =	vmul.f32 $1.900000000e+01, v6  }
0x5b: {  	[tilespmem:$0x420] =	vst v37;
	v41 =	vadd.f32 $1.000000000e+00, v38;
	v0 =	vmul.f32 $1.900000000e+01, v35;
	v42 =	vpop (erf)  }
0x5c: {  	[tilespmem:$0x430] =	vst v39;
	v43 =	vadd.f32 $1.000000000e+00, v40;
	v3 =	vmul.f32 $1.900000000e+01, v42  }
0x5d: {  	[tilespmem:$0x440] =	vst v41;
	v0 =	vadd.f32 $1.000000000e+00, v0  }
0x5e: {  	[tilespmem:$0x450] =	vst v43;
	v44 =	vadd.f32 $1.000000000e+00, v3  }
0x5f: {  	[tilespmem:$0x460] =	vst v0  }
0x60: {  	[tilespmem:$0x470] =	vst v44  }
0x61: {  	[hbm4b:s5+s3] =	stream.linear.scatter [tilespmem:s19], [sflag:$0x2], $0x80, $0x38;
	[tilespmem:$0x600] =	vst v63  }
0x62: {  	_ =	swait.ge [sflag:s18], $0x80  }
0x63: {  	[sflag:s18] =	ssyncset.done $0x0  }
0x64: {  	[sflag:s18] =	ssyncadd.s32 $0xFFFFFF80  }
0x65: {  	v45 =	vld [tilespmem:$0x280];
	_ =	sdelay $0x4  }
0x66: {  	v0 =	vsub.f32 $0.0e+00, v45;
	_ =	sdelay $0x1  }
0x67: {  	v0 =	vmul.f32 $1.442695020e+00, v0;
	_ =	sdelay $0x1  }
0x68: {  	(erf) = vpow2.f32 v0;
	_ =	sdelay $0x3  }
0x69: {  	v46 =	vld [tilespmem:$0x290];
	_ =	sdelay $0x4  }
0x6a: {  	v0 =	vsub.f32 $0.0e+00, v46;
	v47 =	vpop (erf)  }
0x6b: {  	v1 =	vadd.f32 $1.000000000e+00, v47  }
0x6c: {  	v0 =	vmul.f32 $1.442695020e+00, v0  }
0x6d: {  	(erf) = vrcp.f32 v1  }
0x6e: {  	(erf) = vpow2.f32 v0;
	_ =	sdelay $0x3  }
0x6f: {  	v48 =	vld [tilespmem:$0x2A0];
	_ =	sdelay $0x3  }
0x70: {  	v1 =	vpop (erf)  }
0x71: {  	v0 =	vsub.f32 $0.0e+00, v48;
	v49 =	vpop (erf)  }
0x72: {  	v2 =	vadd.f32 $1.000000000e+00, v49  }
0x73: {  	v0 =	vmul.f32 $1.442695020e+00, v0  }
0x74: {  	(erf) = vrcp.f32 v2  }
0x75: {  	(erf) = vpow2.f32 v0;
	_ =	sdelay $0x3  }
0x76: {  	v50 =	vld [tilespmem:$0x2B0];
	_ =	sdelay $0x3  }
0x77: {  	v2 =	vpop (erf)  }
0x78: {  	v0 =	vsub.f32 $0.0e+00, v50;
	v51 =	vpop (erf)  }
0x79: {  	v3 =	vadd.f32 $1.000000000e+00, v51  }
0x7a: {  	v0 =	vmul.f32 $1.442695020e+00, v0  }
0x7b: {  	(erf) = vrcp.f32 v3  }
0x7c: {  	(erf) = vpow2.f32 v0;
	_ =	sdelay $0x3  }
0x7d: {  	v52 =	vld [tilespmem:$0x2C0];
	_ =	sdelay $0x3  }
0x7e: {  	v3 =	vpop (erf)  }
0x7f: {  	v0 =	vsub.f32 $0.0e+00, v52;
	v53 =	vpop (erf)  }
0x80: {  	v4 =	vadd.f32 $1.000000000e+00, v53  }
0x81: {  	v0 =	vmul.f32 $1.442695020e+00, v0  }
0x82: {  	(erf) = vrcp.f32 v4  }
0x83: {  	(erf) = vpow2.f32 v0;
	_ =	sdelay $0x3  }
0x84: {  	v54 =	vld [tilespmem:$0x2D0];
	_ =	sdelay $0x3  }
0x85: {  	v4 =	vpop (erf)  }
0x86: {  	v0 =	vsub.f32 $0.0e+00, v54;
	v55 =	vpop (erf)  }
0x87: {  	v5 =	vadd.f32 $1.000000000e+00, v55  }
0x88: {  	v0 =	vmul.f32 $1.442695020e+00, v0  }
0x89: {  	(erf) = vrcp.f32 v5  }
0x8a: {  	(erf) = vpow2.f32 v0;
	_ =	sdelay $0x3  }
0x8b: {  	v56 =	vld [tilespmem:$0x2E0];
	_ =	sdelay $0x3  }
0x8c: {  	v5 =	vpop (erf)  }
0x8d: {  	v0 =	vsub.f32 $0.0e+00, v56;
	v57 =	vpop (erf)  }
0x8e: {  	v6 =	vadd.f32 $1.000000000e+00, v57  }
0x8f: {  	v0 =	vmul.f32 $1.442695020e+00, v0  }
0x90: {  	(erf) = vrcp.f32 v6  }
0x91: {  	(erf) = vpow2.f32 v0;
	_ =	sdelay $0x3  }
0x92: {  	v58 =	vld [tilespmem:$0x2F0];
	_ =	sdelay $0x3  }
0x93: {  	v6 =	vpop (erf)  }
0x94: {  	v0 =	vsub.f32 $0.0e+00, v58;
	v59 =	vpop (erf)  }
0x95: {  	v7 =	vadd.f32 $1.000000000e+00, v59  }
0x96: {  	v0 =	vmul.f32 $1.442695020e+00, v0  }
0x97: {  	(erf) = vrcp.f32 v7  }
0x98: {  	(erf) = vpow2.f32 v0;
	_ =	sdelay $0x7  }
0x99: {  	v60 =	vpop (erf)  }
0x9a: {  	v61 =	vpop (erf)  }
0x9b: {  	v7 =	vadd.f32 $1.000000000e+00, v61;
	_ =	sdelay $0x1  }
0x9c: {  	(erf) = vrcp.f32 v7;
	_ =	sdelay $0x2  }
0x9d: {  	v1 =	vmul.f32 $1.900000000e+01, v1  }
0x9e: {  	v2 =	vmul.f32 $1.900000000e+01, v2  }
0x9f: {  	v1 =	vadd.f32 $1.000000000e+00, v1;
	v3 =	vmul.f32 $1.900000000e+01, v3  }
0xa0: {  	v2 =	vadd.f32 $1.000000000e+00, v2;
	v4 =	vmul.f32 $1.900000000e+01, v4  }
0xa1: {  	[tilespmem:$0x480] =	vst v1;
	v62 =	vadd.f32 $1.000000000e+00, v3;
	v63 =	vmul.f32 $1.900000000e+01, v5  }
0xa2: {  	[tilespmem:$0x490] =	vst v2;
	v8 =	vadd.f32 $1.000000000e+00, v4;
	v9 =	vmul.f32 $1.900000000e+01, v6  }
0xa3: {  	[tilespmem:$0x4A0] =	vst v62;
	v10 =	vadd.f32 $1.000000000e+00, v63;
	v0 =	vmul.f32 $1.900000000e+01, v60;
	v11 =	vpop (erf)  }
0xa4: {  	[tilespmem:$0x4B0] =	vst v8;
	v12 =	vadd.f32 $1.000000000e+00, v9;
	v3 =	vmul.f32 $1.900000000e+01, v11  }
0xa5: {  	[tilespmem:$0x4C0] =	vst v10;
	v0 =	vadd.f32 $1.000000000e+00, v0  }
0xa6: {  	[tilespmem:$0x4D0] =	vst v12;
	v13 =	vadd.f32 $1.000000000e+00, v3  }
0xa7: {  	[tilespmem:$0x4E0] =	vst v0  }
0xa8: {  	[tilespmem:$0x4F0] =	vst v13  }
0xa9: {  	[hbm4b:s6+s3] =	stream.linear.scatter [tilespmem:s20], [sflag:$0x2], $0x80, $0x38;
	[tilespmem:$0x600] =	vst v63  }
0xaa: {  	_ =	swait.ge [sflag:s18], $0x80  }
0xab: {  	[sflag:s18] =	ssyncset.done $0x0  }
0xac: {  	[sflag:s18] =	ssyncadd.s32 $0xFFFFFF80  }
0xad: {  	v14 =	vld [tilespmem:$0x300];
	_ =	sdelay $0x4  }
0xae: {  	v0 =	vsub.f32 $0.0e+00, v14;
	_ =	sdelay $0x1  }
0xaf: {  	v0 =	vmul.f32 $1.442695020e+00, v0;
	_ =	sdelay $0x1  }
0xb0: {  	(erf) = vpow2.f32 v0;
	_ =	sdelay $0x3  }
0xb1: {  	v15 =	vld [tilespmem:$0x310];
	_ =	sdelay $0x4  }
0xb2: {  	v0 =	vsub.f32 $0.0e+00, v15;
	v16 =	vpop (erf)  }
0xb3: {  	v1 =	vadd.f32 $1.000000000e+00, v16  }
0xb4: {  	v0 =	vmul.f32 $1.442695020e+00, v0  }
0xb5: {  	(erf) = vrcp.f32 v1  }
0xb6: {  	(erf) = vpow2.f32 v0;
	_ =	sdelay $0x3  }
0xb7: {  	v17 =	vld [tilespmem:$0x320];
	_ =	sdelay $0x3  }
0xb8: {  	v1 =	vpop (erf)  }
0xb9: {  	v0 =	vsub.f32 $0.0e+00, v17;
	v18 =	vpop (erf)  }
0xba: {  	v2 =	vadd.f32 $1.000000000e+00, v18  }
0xbb: {  	v0 =	vmul.f32 $1.442695020e+00, v0  }
0xbc: {  	(erf) = vrcp.f32 v2  }
0xbd: {  	(erf) = vpow2.f32 v0;
	_ =	sdelay $0x3  }
0xbe: {  	v19 =	vld [tilespmem:$0x330];
	_ =	sdelay $0x3  }
0xbf: {  	v2 =	vpop (erf)  }
0xc0: {  	v0 =	vsub.f32 $0.0e+00, v19;
	v20 =	vpop (erf)  }
0xc1: {  	v3 =	vadd.f32 $1.000000000e+00, v20  }
0xc2: {  	v0 =	vmul.f32 $1.442695020e+00, v0  }
0xc3: {  	(erf) = vrcp.f32 v3  }
0xc4: {  	(erf) = vpow2.f32 v0;
	_ =	sdelay $0x3  }
0xc5: {  	v21 =	vld [tilespmem:$0x340];
	_ =	sdelay $0x3  }
0xc6: {  	v3 =	vpop (erf)  }
0xc7: {  	v0 =	vsub.f32 $0.0e+00, v21;
	v22 =	vpop (erf)  }
0xc8: {  	v4 =	vadd.f32 $1.000000000e+00, v22  }
0xc9: {  	v0 =	vmul.f32 $1.442695020e+00, v0  }
0xca: {  	(erf) = vrcp.f32 v4  }
0xcb: {  	(erf) = vpow2.f32 v0;
	_ =	sdelay $0x3  }
0xcc: {  	v23 =	vld [tilespmem:$0x350];
	_ =	sdelay $0x3  }
0xcd: {  	v4 =	vpop (erf)  }
0xce: {  	v0 =	vsub.f32 $0.0e+00, v23;
	v24 =	vpop (erf)  }
0xcf: {  	v5 =	vadd.f32 $1.000000000e+00, v24  }
0xd0: {  	v0 =	vmul.f32 $1.442695020e+00, v0  }
0xd1: {  	(erf) = vrcp.f32 v5  }
0xd2: {  	(erf) = vpow2.f32 v0;
	_ =	sdelay $0x3  }
0xd3: {  	v25 =	vld [tilespmem:$0x360];
	_ =	sdelay $0x3  }
0xd4: {  	v5 =	vpop (erf)  }
0xd5: {  	v0 =	vsub.f32 $0.0e+00, v25;
	v26 =	vpop (erf)  }
0xd6: {  	v6 =	vadd.f32 $1.000000000e+00, v26  }
0xd7: {  	v0 =	vmul.f32 $1.442695020e+00, v0  }
0xd8: {  	(erf) = vrcp.f32 v6  }
0xd9: {  	(erf) = vpow2.f32 v0;
	_ =	sdelay $0x3  }
0xda: {  	v27 =	vld [tilespmem:$0x370];
	_ =	sdelay $0x3  }
0xdb: {  	v6 =	vpop (erf)  }
0xdc: {  	v0 =	vsub.f32 $0.0e+00, v27;
	v28 =	vpop (erf)  }
0xdd: {  	v7 =	vadd.f32 $1.000000000e+00, v28  }
0xde: {  	v0 =	vmul.f32 $1.442695020e+00, v0  }
0xdf: {  	(erf) = vrcp.f32 v7  }
0xe0: {  	(erf) = vpow2.f32 v0;
	_ =	sdelay $0x7  }
0xe1: {  	v29 =	vpop (erf)  }
0xe2: {  	v30 =	vpop (erf)  }
0xe3: {  	v7 =	vadd.f32 $1.000000000e+00, v30;
	_ =	sdelay $0x1  }
0xe4: {  	(erf) = vrcp.f32 v7;
	_ =	sdelay $0x2  }
0xe5: {  	v1 =	vmul.f32 $1.900000000e+01, v1  }
0xe6: {  	v2 =	vmul.f32 $1.900000000e+01, v2  }
0xe7: {  	v1 =	vadd.f32 $1.000000000e+00, v1;
	v3 =	vmul.f32 $1.900000000e+01, v3  }
0xe8: {  	v2 =	vadd.f32 $1.000000000e+00, v2;
	v4 =	vmul.f32 $1.900000000e+01, v4  }
0xe9: {  	[tilespmem:$0x500] =	vst v1;
	v31 =	vadd.f32 $1.000000000e+00, v3;
	v32 =	vmul.f32 $1.900000000e+01, v5  }
0xea: {  	[tilespmem:$0x510] =	vst v2;
	v33 =	vadd.f32 $1.000000000e+00, v4;
	v34 =	vmul.f32 $1.900000000e+01, v6  }
0xeb: {  	[tilespmem:$0x520] =	vst v31;
	v35 =	vadd.f32 $1.000000000e+00, v32;
	v0 =	vmul.f32 $1.900000000e+01, v29;
	v36 =	vpop (erf)  }
0xec: {  	[tilespmem:$0x530] =	vst v33;
	v37 =	vadd.f32 $1.000000000e+00, v34;
	v3 =	vmul.f32 $1.900000000e+01, v36  }
0xed: {  	[tilespmem:$0x540] =	vst v35;
	v0 =	vadd.f32 $1.000000000e+00, v0  }
0xee: {  	[tilespmem:$0x550] =	vst v37;
	v38 =	vadd.f32 $1.000000000e+00, v3  }
0xef: {  	[tilespmem:$0x560] =	vst v0  }
0xf0: {  	[tilespmem:$0x570] =	vst v38  }
0xf1: {  	[hbm4b:s7+s3] =	stream.linear.scatter [tilespmem:s21], [sflag:$0x2], $0x80, $0x38;
	[tilespmem:$0x600] =	vst v63  }
0xf2: {  	_ =	swait.ge [sflag:s18], $0x80  }
0xf3: {  	[sflag:s18] =	ssyncset.done $0x0  }
0xf4: {  	[sflag:s18] =	ssyncadd.s32 $0xFFFFFF80  }
0xf5: {  	v39 =	vld [tilespmem:$0x380];
	_ =	sdelay $0x4  }
0xf6: {  	v0 =	vsub.f32 $0.0e+00, v39;
	_ =	sdelay $0x1  }
0xf7: {  	v0 =	vmul.f32 $1.442695020e+00, v0;
	_ =	sdelay $0x1  }
0xf8: {  	(erf) = vpow2.f32 v0;
	_ =	sdelay $0x3  }
0xf9: {  	v40 =	vld [tilespmem:$0x390];
	_ =	sdelay $0x4  }
0xfa: {  	v0 =	vsub.f32 $0.0e+00, v40;
	v41 =	vpop (erf)  }
0xfb: {  	v1 =	vadd.f32 $1.000000000e+00, v41  }
0xfc: {  	v0 =	vmul.f32 $1.442695020e+00, v0  }
0xfd: {  	(erf) = vrcp.f32 v1  }
0xfe: {  	(erf) = vpow2.f32 v0;
	_ =	sdelay $0x3  }
0xff: {  	v42 =	vld [tilespmem:$0x3A0];
	_ =	sdelay $0x3  }
0x100: {  	v1 =	vpop (erf)  }
0x101: {  	v0 =	vsub.f32 $0.0e+00, v42;
	v43 =	vpop (erf)  }
0x102: {  	v2 =	vadd.f32 $1.000000000e+00, v43  }
0x103: {  	v0 =	vmul.f32 $1.442695020e+00, v0  }
0x104: {  	(erf) = vrcp.f32 v2  }
0x105: {  	(erf) = vpow2.f32 v0;
	_ =	sdelay $0x3  }
0x106: {  	v44 =	vld [tilespmem:$0x3B0];
	_ =	sdelay $0x3  }
0x107: {  	v2 =	vpop (erf)  }
0x108: {  	v0 =	vsub.f32 $0.0e+00, v44;
	v45 =	vpop (erf)  }
0x109: {  	v3 =	vadd.f32 $1.000000000e+00, v45  }
0x10a: {  	v0 =	vmul.f32 $1.442695020e+00, v0  }
0x10b: {  	(erf) = vrcp.f32 v3  }
0x10c: {  	(erf) = vpow2.f32 v0;
	_ =	sdelay $0x3  }
0x10d: {  	v46 =	vld [tilespmem:$0x3C0];
	_ =	sdelay $0x3  }
0x10e: {  	v3 =	vpop (erf)  }
0x10f: {  	v0 =	vsub.f32 $0.0e+00, v46;
	v47 =	vpop (erf)  }
0x110: {  	v4 =	vadd.f32 $1.000000000e+00, v47  }
0x111: {  	v0 =	vmul.f32 $1.442695020e+00, v0  }
0x112: {  	(erf) = vrcp.f32 v4  }
0x113: {  	(erf) = vpow2.f32 v0;
	_ =	sdelay $0x3  }
0x114: {  	v48 =	vld [tilespmem:$0x3D0];
	_ =	sdelay $0x3  }
0x115: {  	v4 =	vpop (erf)  }
0x116: {  	v0 =	vsub.f32 $0.0e+00, v48;
	v49 =	vpop (erf)  }
0x117: {  	v5 =	vadd.f32 $1.000000000e+00, v49  }
0x118: {  	v0 =	vmul.f32 $1.442695020e+00, v0  }
0x119: {  	(erf) = vrcp.f32 v5  }
0x11a: {  	(erf) = vpow2.f32 v0;
	_ =	sdelay $0x3  }
0x11b: {  	v50 =	vld [tilespmem:$0x3E0];
	_ =	sdelay $0x3  }
0x11c: {  	v5 =	vpop (erf)  }
0x11d: {  	v0 =	vsub.f32 $0.0e+00, v50;
	v51 =	vpop (erf)  }
0x11e: {  	v6 =	vadd.f32 $1.000000000e+00, v51  }
0x11f: {  	v0 =	vmul.f32 $1.442695020e+00, v0  }
0x120: {  	(erf) = vrcp.f32 v6  }
0x121: {  	(erf) = vpow2.f32 v0;
	_ =	sdelay $0x3  }
0x122: {  	v52 =	vld [tilespmem:$0x3F0];
	_ =	sdelay $0x3  }
0x123: {  	v6 =	vpop (erf)  }
0x124: {  	v0 =	vsub.f32 $0.0e+00, v52;
	v53 =	vpop (erf)  }
0x125: {  	v7 =	vadd.f32 $1.000000000e+00, v53  }
0x126: {  	v0 =	vmul.f32 $1.442695020e+00, v0  }
0x127: {  	(erf) = vrcp.f32 v7  }
0x128: {  	(erf) = vpow2.f32 v0;
	_ =	sdelay $0x7  }
0x129: {  	v54 =	vpop (erf)  }
0x12a: {  	v55 =	vpop (erf)  }
0x12b: {  	v7 =	vadd.f32 $1.000000000e+00, v55;
	_ =	sdelay $0x1  }
0x12c: {  	(erf) = vrcp.f32 v7;
	_ =	sdelay $0x2  }
0x12d: {  	v1 =	vmul.f32 $1.900000000e+01, v1  }
0x12e: {  	v2 =	vmul.f32 $1.900000000e+01, v2  }
0x12f: {  	v1 =	vadd.f32 $1.000000000e+00, v1;
	v3 =	vmul.f32 $1.900000000e+01, v3  }
0x130: {  	v2 =	vadd.f32 $1.000000000e+00, v2;
	v4 =	vmul.f32 $1.900000000e+01, v4  }
0x131: {  	[tilespmem:$0x580] =	vst v1;
	v56 =	vadd.f32 $1.000000000e+00, v3;
	v57 =	vmul.f32 $1.900000000e+01, v5  }
0x132: {  	[tilespmem:$0x590] =	vst v2;
	v58 =	vadd.f32 $1.000000000e+00, v4;
	v59 =	vmul.f32 $1.900000000e+01, v6  }
0x133: {  	[tilespmem:$0x5A0] =	vst v56;
	v60 =	vadd.f32 $1.000000000e+00, v57;
	v0 =	vmul.f32 $1.900000000e+01, v54;
	v61 =	vpop (erf)  }
0x134: {  	[tilespmem:$0x5B0] =	vst v58;
	v62 =	vadd.f32 $1.000000000e+00, v59;
	v3 =	vmul.f32 $1.900000000e+01, v61  }
0x135: {  	[tilespmem:$0x5C0] =	vst v60;
	v0 =	vadd.f32 $1.000000000e+00, v0  }
0x136: {  	[tilespmem:$0x5D0] =	vst v62;
	v63 =	vadd.f32 $1.000000000e+00, v3  }
0x137: {  	[tilespmem:$0x5E0] =	vst v0  }
0x138: {  	[tilespmem:$0x5F0] =	vst v63  }
0x139: {  	[hbm4b:s8+s3] =	stream.linear.scatter [tilespmem:s22], [sflag:$0x2], $0x80, $0x38;
	[tilespmem:$0x600] =	vst v63  }
0x13a: {  	_ =	swait.ge [sflag:s23], $0x80  }
0x13b: {  	[sflag:s23] =	ssyncset.done $0x0  }
0x13c: {  	[sflag:s23] =	ssyncadd.s32 $0xFFFFFF80  }
0x13d: {  	_ =	swait.ge [sflag:s23], $0x80  }
0x13e: {  	[sflag:s23] =	ssyncset.done $0x0  }
0x13f: {  	[sflag:s23] =	ssyncadd.s32 $0xFFFFFF80  }
0x140: {  	p0 =	sne.s32 s9, $0x1;
	_ =	swait.ge [sflag:s23], $0x80  }
.Ltmp0:
0x141: {  	[sflag:s23] =	ssyncset.done $0x0;
	(pc) =	sbr.rel @p0 .LBB2_1-.Ltmp0, $4  }
0x142: {  	[sflag:s23] =	ssyncadd.s32 $0xFFFFFF80  }
0x143: {  	_ =	swait.ge [sflag:s23], $0x80  }
0x144: {  	[sflag:s23] =	ssyncset.done $0x0  }
0x145: {  	s9 =	sadd.s32 $0xFFFFFFFF, s9;
	[sflag:s23] =	ssyncadd.s32 $0xFFFFFF80  }
0x146: {  	_ =	sfence.sel $0x180000  }
0x147: {  	[bflag:$0x0] =	sbarrier.arrive $0xFFFF  }
0x148: {  	p0 =	sne.s32 s2, $0x0;
	_ =	strace $0x90000047  }
0x149: {  	s0 =	sadd.s32 @!p0 $0x100000, s0;
	[bflag:$0x2] =	sbarrier.arrive $0xFFFF  }
0x14a: {  	[sflag:s0] =	ssyncadd.tile.s32 @!p0 $0x1;
	_ =	shalt  }
.Lfunc_end2:
_tile_overlayer_lowered:
.L_overlay_start_2:
0x14b: {  	(tag) =	ssettag $0x2  }
0x14c: {  	s0 =	rddreg [dreg:$0x0];
	s2 =	stileid.u32  }
0x14d: {  	s1 =	rddreg [dreg:$0x1];
	p0 =	sne.s32 s2, $0x0  }
0x14e: {  	s3 =	rddreg [dreg:$0x2];
	[bflag:$0x3] =	sbarrier.arrive $0xFFFF;
	s2 =	simm.s32 @!p0 $0x1C03  }
0x14f: {  	[timem:s3], [sflag:s2] =	dma.local @!p0 [hbm:s0], s1  }
0x150: {  	s0 =	simm.s32 @!p0 $0x3  }
0x151: {  	_ =	swait.ge @!p0 [sflag:s0], s1  }
0x152: {  	s1 =	ssub.s32 @!p0 $0x0, s1;
	[sflag:s0] =	ssyncset.done @!p0 $0x0  }
0x153: {  	[sflag:s0] =	ssyncadd.s32 @!p0 s1  }
0x154: {  	[bflag:$0x3] =	sbarrier.arrive $0xFFFF  }
0x155: {  	_ =	shalt  }

</sc_bundles>
